<compile_context>
chip_gen: v7x
topology: tpu7x:2x2x1
jax: 0.10.2.dev20260603
libtpu: 0.0.44.dev20260713+nightly
codegen_flags: <defaults>
</compile_context>

<pallas_src>
import functools

import jax
import jax.numpy as jnp
from jax import lax
from jax.experimental import pallas as pl
from jax.experimental.pallas import tpu as pltpu
from jax.experimental.pallas import tpu_sc as plsc

D = 2048
S = 4096

NC = 2
NS = 16
NW = NC * NS
ROWS_W = S // NW
CH = 8
CR = ROWS_W // CH
NBUF = 3


def _body(seq_hbm, past_hbm, table_hbm, out_hbm,
          scal_v, b0, b1, b2, sem_g, sem_s):
    wid = lax.axis_index("s") * NC + lax.axis_index("c")
    base = wid * ROWS_W
    c0 = pltpu.async_copy(seq_hbm, scal_v.at[pl.ds(0, 1)], sem_g)
    c1 = pltpu.async_copy(past_hbm, scal_v.at[pl.ds(8, 1)], sem_g)
    c0.wait()
    c1.wait()
    scal = scal_v[...]
    row0 = pl.multiple_of(scal[0] + scal[8] - S + base, 8)
    bufs = (b0, b1, b2)

    def gather(c):
        return pltpu.async_copy(
            table_hbm.at[pl.ds(row0 + c * CR, CR)], bufs[c % NBUF], sem_g)

    def scatter(c):
        return pltpu.async_copy(
            bufs[c % NBUF], out_hbm.at[pl.ds(base + c * CR, CR)], sem_s)

    g = [None] * CH
    s = [None] * CH
    g[0] = gather(0)
    g[1] = gather(1)
    for c in range(CH):
        g[c].wait()
        s[c] = scatter(c)
        nxt = c + 2
        if nxt < CH:
            if nxt >= NBUF:
                s[nxt - NBUF].wait()
            g[nxt] = gather(nxt)
    for c in range(CH - NBUF, CH):
        s[c].wait()


@functools.partial(jax.jit)
def _sc_copy(seq_len, past_len, table):
    kern = functools.partial(
        pl.kernel,
        out_type=jax.ShapeDtypeStruct((S, D), jnp.float32),
        mesh=plsc.VectorSubcoreMesh(core_axis_name="c", subcore_axis_name="s"),
        scratch_types=[
            pltpu.VMEM((16,), jnp.int32),
            pltpu.VMEM((CR, D), jnp.float32),
            pltpu.VMEM((CR, D), jnp.float32),
            pltpu.VMEM((CR, D), jnp.float32),
            pltpu.SemaphoreType.DMA,
            pltpu.SemaphoreType.DMA,
        ],
    )(_body)
    return kern(seq_len, past_len, table)


def kernel(seq_len, past_len, embedding):
    seq = jnp.asarray(seq_len, jnp.int32).reshape(1)
    past = jnp.asarray(past_len, jnp.int32).reshape(1)
    out = _sc_copy(seq, past, embedding)
    return out[None]

# --- scband reference (transcript-rebuilt; emitter-appended) ---
"""Pipeline reference for scband-positional-embeddings-1949915152565 (READ-ONLY COPY).

The authoritative reference and input builder live on the scoring server;
editing this copy changes nothing except your own understanding.
"""

import jax, jax.numpy as jnp
import numpy as np

MAX_SEQ_LEN = 8192
D_MODEL = 2048

SEQ_LEN_STATIC = 4096

def setup_inputs(seed: int = 0) -> dict:
    key = jax.random.key(seed)
    k_emb, = jax.random.split(key, 1)
    embedding = jax.random.normal(k_emb, (MAX_SEQ_LEN, D_MODEL), dtype=jnp.float32)
    return {"seq_len": 4096, "past_len": 2048, "embedding": embedding}

def reference(seq_len, past_len, embedding):
    # pos = arange(past_len, past_len + seq_len), unsqueeze(0), then embedding lookup
    idx_dtype = jnp.int64 if jax.config.jax_enable_x64 else jnp.int32
    base = jnp.arange(SEQ_LEN_STATIC, dtype=idx_dtype)
    start = jnp.asarray(past_len, dtype=idx_dtype) + (jnp.asarray(seq_len, dtype=idx_dtype) - SEQ_LEN_STATIC)
    pos = start + base
    pos = pos[None, :]  # [1, seq_len]
    out = jnp.take(embedding, pos, axis=0)  # [1, seq_len, d_model]
    return out

if __name__ == "__main__":
    import jax
    _d = setup_inputs()
    print(jax.jit(kernel)(*tuple(_d.values())))

</pallas_src>

<mosaic_0001>
#map = affine_map<(d0, d1) -> (0)>
#map1 = affine_map<(d0, d1) -> (0, 0)>
module attributes {stable_mosaic.version = 14 : i64} {
  func.func @_body(%arg0: i32, %arg1: i32, %arg2: memref<1xi32, #tpu.memory_space<hbm>>, %arg3: memref<1xi32, #tpu.memory_space<hbm>>, %arg4: memref<8192x2048xf32, #tpu.memory_space<hbm>>, %arg5: memref<4096x2048xf32, #tpu.memory_space<hbm>>, %arg6: memref<16xi32, #tpu.memory_space<vmem>>, %arg7: memref<16x2048xf32, #tpu.memory_space<vmem>>, %arg8: memref<16x2048xf32, #tpu.memory_space<vmem>>, %arg9: memref<16x2048xf32, #tpu.memory_space<vmem>>, %arg10: memref<!tpu.dma_semaphore, #tpu.memory_space<semaphore_mem>>, %arg11: memref<!tpu.dma_semaphore, #tpu.memory_space<semaphore_mem>>) attributes {dimension_semantics = [#tpu.dimension_semantics<core_parallel>, #tpu.dimension_semantics<subcore_parallel>], iteration_bounds = array<i64: 2, 16>, scalar_prefetch = 0 : i64, scratch_operands = 6 : i64, tpu.core_type = #tpu.core_type<sc_vector_subcore>, window_params = [{transform_indices = #map}, {transform_indices = #map}, {transform_indices = #map1}, {transform_indices = #map1}]} {
    %mul3A = arith.constant 2 : i32
    %mul3A_0 = arith.muli %arg1, %mul3A : i32
    %add3A = arith.addi %mul3A_0, %arg0 : i32
    %mul3A_1 = arith.constant 128 : i32
    %mul3A_2 = arith.muli %add3A, %mul3A_1 : i32
    %dma_start3A = arith.constant 0 : i32
    %dma_start3A_3 = tpu.memref_slice %arg6[%dma_start3A] : memref<16xi32, #tpu.memory_space<vmem>> -> memref<1xi32, #tpu.memory_space<vmem>>
    %dma_start3A_4 = arith.constant 0 : i32
    %dma_start3A_5 = tpu.memref_slice %arg6[%dma_start3A_4] : memref<16xi32, #tpu.memory_space<vmem>> -> memref<1xi32, #tpu.memory_space<vmem>>
    tpu.enqueue_dma source(%arg2 : memref<1xi32, #tpu.memory_space<hbm>>) target(%dma_start3A_5 : memref<1xi32, #tpu.memory_space<vmem>>) target_semaphore(%arg10 : memref<!tpu.dma_semaphore, #tpu.memory_space<semaphore_mem>>)
    %dma_start3A_6 = arith.constant 8 : i32
    %dma_start3A_7 = tpu.memref_slice %arg6[%dma_start3A_6] : memref<16xi32, #tpu.memory_space<vmem>> -> memref<1xi32, #tpu.memory_space<vmem>>
    %dma_start3A_8 = arith.constant 8 : i32
    %dma_start3A_9 = tpu.memref_slice %arg6[%dma_start3A_8] : memref<16xi32, #tpu.memory_space<vmem>> -> memref<1xi32, #tpu.memory_space<vmem>>
    tpu.enqueue_dma source(%arg3 : memref<1xi32, #tpu.memory_space<hbm>>) target(%dma_start3A_9 : memref<1xi32, #tpu.memory_space<vmem>>) target_semaphore(%arg10 : memref<!tpu.dma_semaphore, #tpu.memory_space<semaphore_mem>>)
    %dma_wait3A = arith.constant 0 : i32
    %dma_wait3A_10 = tpu.memref_slice %arg6[%dma_wait3A] : memref<16xi32, #tpu.memory_space<vmem>> -> memref<1xi32, #tpu.memory_space<vmem>>
    %dma_wait3A_11 = arith.constant 0 : i32
    %dma_wait3A_12 = tpu.memref_slice %arg6[%dma_wait3A_11] : memref<16xi32, #tpu.memory_space<vmem>> -> memref<1xi32, #tpu.memory_space<vmem>>
    tpu.wait_dma2 semaphore(%arg10 : memref<!tpu.dma_semaphore, #tpu.memory_space<semaphore_mem>>) src(%arg2 : memref<1xi32, #tpu.memory_space<hbm>>) dst(%dma_wait3A_12 : memref<1xi32, #tpu.memory_space<vmem>>)
    %dma_wait3A_13 = arith.constant 8 : i32
    %dma_wait3A_14 = tpu.memref_slice %arg6[%dma_wait3A_13] : memref<16xi32, #tpu.memory_space<vmem>> -> memref<1xi32, #tpu.memory_space<vmem>>
    %dma_wait3A_15 = arith.constant 8 : i32
    %dma_wait3A_16 = tpu.memref_slice %arg6[%dma_wait3A_15] : memref<16xi32, #tpu.memory_space<vmem>> -> memref<1xi32, #tpu.memory_space<vmem>>
    tpu.wait_dma2 semaphore(%arg10 : memref<!tpu.dma_semaphore, #tpu.memory_space<semaphore_mem>>) src(%arg3 : memref<1xi32, #tpu.memory_space<hbm>>) dst(%dma_wait3A_16 : memref<1xi32, #tpu.memory_space<vmem>>)
    %get3A = arith.constant 0 : index
    %get3A_17 = tpu.vector_load %arg6[%get3A] {strides = array<i32>} : memref<16xi32, #tpu.memory_space<vmem>>, vector<16xi32>,
    %get3A_18 = vector.shape_cast %get3A_17 : vector<16xi32> to vector<16xi32>
    %slice3A = vector.extract_strided_slice %get3A_18 {offsets = [0], sizes = [1], strides = [1]} : vector<16xi32> to vector<1xi32>
    %squeeze3A = vector.extract %slice3A[0] : i32 from vector<1xi32>
    %slice3A_19 = vector.extract_strided_slice %get3A_18 {offsets = [8], sizes = [1], strides = [1]} : vector<16xi32> to vector<1xi32>
    %squeeze3A_20 = vector.extract %slice3A_19[0] : i32 from vector<1xi32>
    %add3A_21 = arith.addi %squeeze3A, %squeeze3A_20 : i32
    %sub3A = arith.constant 4096 : i32
    %sub3A_22 = arith.subi %add3A_21, %sub3A : i32
    %add3A_23 = arith.addi %sub3A_22, %mul3A_2 : i32
    %multiple_of3A = tpu.assume_multiple %add3A_23, 8 : i32
    %add3A_24 = arith.constant 0 : i32
    %add3A_25 = arith.addi %multiple_of3A, %add3A_24 : i32
    %dma_start3A_26 = arith.constant 0 : i32
    %dma_start3A_27 = tpu.memref_slice %arg4[%add3A_25, %dma_start3A_26] : memref<8192x2048xf32, #tpu.memory_space<hbm>> -> memref<16x2048xf32, #tpu.memory_space<hbm>>
    %dma_start3A_28 = arith.constant 0 : i32
    %dma_start3A_29 = tpu.memref_slice %arg4[%add3A_25, %dma_start3A_28] : memref<8192x2048xf32, #tpu.memory_space<hbm>> -> memref<16x2048xf32, #tpu.memory_space<hbm>>
    tpu.enqueue_dma source(%dma_start3A_29 : memref<16x2048xf32, #tpu.memory_space<hbm>>) target(%arg7 : memref<16x2048xf32, #tpu.memory_space<vmem>>) target_semaphore(%arg10 : memref<!tpu.dma_semaphore, #tpu.memory_space<semaphore_mem>>)
    %add3A_30 = arith.constant 16 : i32
    %add3A_31 = arith.addi %multiple_of3A, %add3A_30 : i32
    %dma_start3A_32 = arith.constant 0 : i32
    %dma_start3A_33 = tpu.memref_slice %arg4[%add3A_31, %dma_start3A_32] : memref<8192x2048xf32, #tpu.memory_space<hbm>> -> memref<16x2048xf32, #tpu.memory_space<hbm>>
    %dma_start3A_34 = arith.constant 0 : i32
    %dma_start3A_35 = tpu.memref_slice %arg4[%add3A_31, %dma_start3A_34] : memref<8192x2048xf32, #tpu.memory_space<hbm>> -> memref<16x2048xf32, #tpu.memory_space<hbm>>
    tpu.enqueue_dma source(%dma_start3A_35 : memref<16x2048xf32, #tpu.memory_space<hbm>>) target(%arg8 : memref<16x2048xf32, #tpu.memory_space<vmem>>) target_semaphore(%arg10 : memref<!tpu.dma_semaphore, #tpu.memory_space<semaphore_mem>>)
    %dma_wait3A_36 = arith.constant 0 : i32
    %dma_wait3A_37 = tpu.memref_slice %arg4[%add3A_25, %dma_wait3A_36] : memref<8192x2048xf32, #tpu.memory_space<hbm>> -> memref<16x2048xf32, #tpu.memory_space<hbm>>
    %dma_wait3A_38 = arith.constant 0 : i32
    %dma_wait3A_39 = tpu.memref_slice %arg4[%add3A_25, %dma_wait3A_38] : memref<8192x2048xf32, #tpu.memory_space<hbm>> -> memref<16x2048xf32, #tpu.memory_space<hbm>>
    tpu.wait_dma2 semaphore(%arg10 : memref<!tpu.dma_semaphore, #tpu.memory_space<semaphore_mem>>) src(%dma_wait3A_39 : memref<16x2048xf32, #tpu.memory_space<hbm>>) dst(%arg7 : memref<16x2048xf32, #tpu.memory_space<vmem>>)
    %add3A_40 = arith.constant 0 : i32
    %add3A_41 = arith.addi %mul3A_2, %add3A_40 : i32
    %dma_start3A_42 = arith.constant 0 : i32
    %dma_start3A_43 = tpu.memref_slice %arg5[%add3A_41, %dma_start3A_42] : memref<4096x2048xf32, #tpu.memory_space<hbm>> -> memref<16x2048xf32, #tpu.memory_space<hbm>>
    %dma_start3A_44 = arith.constant 0 : i32
    %dma_start3A_45 = tpu.memref_slice %arg5[%add3A_41, %dma_start3A_44] : memref<4096x2048xf32, #tpu.memory_space<hbm>> -> memref<16x2048xf32, #tpu.memory_space<hbm>>
    tpu.enqueue_dma source(%arg7 : memref<16x2048xf32, #tpu.memory_space<vmem>>) target(%dma_start3A_45 : memref<16x2048xf32, #tpu.memory_space<hbm>>) target_semaphore(%arg11 : memref<!tpu.dma_semaphore, #tpu.memory_space<semaphore_mem>>)
    %add3A_46 = arith.constant 32 : i32
    %add3A_47 = arith.addi %multiple_of3A, %add3A_46 : i32
    %dma_start3A_48 = arith.constant 0 : i32
    %dma_start3A_49 = tpu.memref_slice %arg4[%add3A_47, %dma_start3A_48] : memref<8192x2048xf32, #tpu.memory_space<hbm>> -> memref<16x2048xf32, #tpu.memory_space<hbm>>
    %dma_start3A_50 = arith.constant 0 : i32
    %dma_start3A_51 = tpu.memref_slice %arg4[%add3A_47, %dma_start3A_50] : memref<8192x2048xf32, #tpu.memory_space<hbm>> -> memref<16x2048xf32, #tpu.memory_space<hbm>>
    tpu.enqueue_dma source(%dma_start3A_51 : memref<16x2048xf32, #tpu.memory_space<hbm>>) target(%arg9 : memref<16x2048xf32, #tpu.memory_space<vmem>>) target_semaphore(%arg10 : memref<!tpu.dma_semaphore, #tpu.memory_space<semaphore_mem>>)
    %dma_wait3A_52 = arith.constant 0 : i32
    %dma_wait3A_53 = tpu.memref_slice %arg4[%add3A_31, %dma_wait3A_52] : memref<8192x2048xf32, #tpu.memory_space<hbm>> -> memref<16x2048xf32, #tpu.memory_space<hbm>>
    %dma_wait3A_54 = arith.constant 0 : i32
    %dma_wait3A_55 = tpu.memref_slice %arg4[%add3A_31, %dma_wait3A_54] : memref<8192x2048xf32, #tpu.memory_space<hbm>> -> memref<16x2048xf32, #tpu.memory_space<hbm>>
    tpu.wait_dma2 semaphore(%arg10 : memref<!tpu.dma_semaphore, #tpu.memory_space<semaphore_mem>>) src(%dma_wait3A_55 : memref<16x2048xf32, #tpu.memory_space<hbm>>) dst(%arg8 : memref<16x2048xf32, #tpu.memory_space<vmem>>)
    %add3A_56 = arith.constant 16 : i32
    %add3A_57 = arith.addi %mul3A_2, %add3A_56 : i32
    %dma_start3A_58 = arith.constant 0 : i32
    %dma_start3A_59 = tpu.memref_slice %arg5[%add3A_57, %dma_start3A_58] : memref<4096x2048xf32, #tpu.memory_space<hbm>> -> memref<16x2048xf32, #tpu.memory_space<hbm>>
    %dma_start3A_60 = arith.constant 0 : i32
    %dma_start3A_61 = tpu.memref_slice %arg5[%add3A_57, %dma_start3A_60] : memref<4096x2048xf32, #tpu.memory_space<hbm>> -> memref<16x2048xf32, #tpu.memory_space<hbm>>
    tpu.enqueue_dma source(%arg8 : memref<16x2048xf32, #tpu.memory_space<vmem>>) target(%dma_start3A_61 : memref<16x2048xf32, #tpu.memory_space<hbm>>) target_semaphore(%arg11 : memref<!tpu.dma_semaphore, #tpu.memory_space<semaphore_mem>>)
    %dma_wait3A_62 = arith.constant 0 : i32
    %dma_wait3A_63 = tpu.memref_slice %arg5[%add3A_41, %dma_wait3A_62] : memref<4096x2048xf32, #tpu.memory_space<hbm>> -> memref<16x2048xf32, #tpu.memory_space<hbm>>
    %dma_wait3A_64 = arith.constant 0 : i32
    %dma_wait3A_65 = tpu.memref_slice %arg5[%add3A_41, %dma_wait3A_64] : memref<4096x2048xf32, #tpu.memory_space<hbm>> -> memref<16x2048xf32, #tpu.memory_space<hbm>>
    tpu.wait_dma2 semaphore(%arg11 : memref<!tpu.dma_semaphore, #tpu.memory_space<semaphore_mem>>) src(%arg7 : memref<16x2048xf32, #tpu.memory_space<vmem>>) dst(%dma_wait3A_65 : memref<16x2048xf32, #tpu.memory_space<hbm>>)
    %add3A_66 = arith.constant 48 : i32
    %add3A_67 = arith.addi %multiple_of3A, %add3A_66 : i32
    %dma_start3A_68 = arith.constant 0 : i32
    %dma_start3A_69 = tpu.memref_slice %arg4[%add3A_67, %dma_start3A_68] : memref<8192x2048xf32, #tpu.memory_space<hbm>> -> memref<16x2048xf32, #tpu.memory_space<hbm>>
    %dma_start3A_70 = arith.constant 0 : i32
    %dma_start3A_71 = tpu.memref_slice %arg4[%add3A_67, %dma_start3A_70] : memref<8192x2048xf32, #tpu.memory_space<hbm>> -> memref<16x2048xf32, #tpu.memory_space<hbm>>
    tpu.enqueue_dma source(%dma_start3A_71 : memref<16x2048xf32, #tpu.memory_space<hbm>>) target(%arg7 : memref<16x2048xf32, #tpu.memory_space<vmem>>) target_semaphore(%arg10 : memref<!tpu.dma_semaphore, #tpu.memory_space<semaphore_mem>>)
    %dma_wait3A_72 = arith.constant 0 : i32
    %dma_wait3A_73 = tpu.memref_slice %arg4[%add3A_47, %dma_wait3A_72] : memref<8192x2048xf32, #tpu.memory_space<hbm>> -> memref<16x2048xf32, #tpu.memory_space<hbm>>
    %dma_wait3A_74 = arith.constant 0 : i32
    %dma_wait3A_75 = tpu.memref_slice %arg4[%add3A_47, %dma_wait3A_74] : memref<8192x2048xf32, #tpu.memory_space<hbm>> -> memref<16x2048xf32, #tpu.memory_space<hbm>>
    tpu.wait_dma2 semaphore(%arg10 : memref<!tpu.dma_semaphore, #tpu.memory_space<semaphore_mem>>) src(%dma_wait3A_75 : memref<16x2048xf32, #tpu.memory_space<hbm>>) dst(%arg9 : memref<16x2048xf32, #tpu.memory_space<vmem>>)
    %add3A_76 = arith.constant 32 : i32
    %add3A_77 = arith.addi %mul3A_2, %add3A_76 : i32
    %dma_start3A_78 = arith.constant 0 : i32
    %dma_start3A_79 = tpu.memref_slice %arg5[%add3A_77, %dma_start3A_78] : memref<4096x2048xf32, #tpu.memory_space<hbm>> -> memref<16x2048xf32, #tpu.memory_space<hbm>>
    %dma_start3A_80 = arith.constant 0 : i32
    %dma_start3A_81 = tpu.memref_slice %arg5[%add3A_77, %dma_start3A_80] : memref<4096x2048xf32, #tpu.memory_space<hbm>> -> memref<16x2048xf32, #tpu.memory_space<hbm>>
    tpu.enqueue_dma source(%arg9 : memref<16x2048xf32, #tpu.memory_space<vmem>>) target(%dma_start3A_81 : memref<16x2048xf32, #tpu.memory_space<hbm>>) target_semaphore(%arg11 : memref<!tpu.dma_semaphore, #tpu.memory_space<semaphore_mem>>)
    %dma_wait3A_82 = arith.constant 0 : i32
    %dma_wait3A_83 = tpu.memref_slice %arg5[%add3A_57, %dma_wait3A_82] : memref<4096x2048xf32, #tpu.memory_space<hbm>> -> memref<16x2048xf32, #tpu.memory_space<hbm>>
    %dma_wait3A_84 = arith.constant 0 : i32
    %dma_wait3A_85 = tpu.memref_slice %arg5[%add3A_57, %dma_wait3A_84] : memref<4096x2048xf32, #tpu.memory_space<hbm>> -> memref<16x2048xf32, #tpu.memory_space<hbm>>
    tpu.wait_dma2 semaphore(%arg11 : memref<!tpu.dma_semaphore, #tpu.memory_space<semaphore_mem>>) src(%arg8 : memref<16x2048xf32, #tpu.memory_space<vmem>>) dst(%dma_wait3A_85 : memref<16x2048xf32, #tpu.memory_space<hbm>>)
    %add3A_86 = arith.constant 64 : i32
    %add3A_87 = arith.addi %multiple_of3A, %add3A_86 : i32
    %dma_start3A_88 = arith.constant 0 : i32
    %dma_start3A_89 = tpu.memref_slice %arg4[%add3A_87, %dma_start3A_88] : memref<8192x2048xf32, #tpu.memory_space<hbm>> -> memref<16x2048xf32, #tpu.memory_space<hbm>>
    %dma_start3A_90 = arith.constant 0 : i32
    %dma_start3A_91 = tpu.memref_slice %arg4[%add3A_87, %dma_start3A_90] : memref<8192x2048xf32, #tpu.memory_space<hbm>> -> memref<16x2048xf32, #tpu.memory_space<hbm>>
    tpu.enqueue_dma source(%dma_start3A_91 : memref<16x2048xf32, #tpu.memory_space<hbm>>) target(%arg8 : memref<16x2048xf32, #tpu.memory_space<vmem>>) target_semaphore(%arg10 : memref<!tpu.dma_semaphore, #tpu.memory_space<semaphore_mem>>)
    %dma_wait3A_92 = arith.constant 0 : i32
    %dma_wait3A_93 = tpu.memref_slice %arg4[%add3A_67, %dma_wait3A_92] : memref<8192x2048xf32, #tpu.memory_space<hbm>> -> memref<16x2048xf32, #tpu.memory_space<hbm>>
    %dma_wait3A_94 = arith.constant 0 : i32
    %dma_wait3A_95 = tpu.memref_slice %arg4[%add3A_67, %dma_wait3A_94] : memref<8192x2048xf32, #tpu.memory_space<hbm>> -> memref<16x2048xf32, #tpu.memory_space<hbm>>
    tpu.wait_dma2 semaphore(%arg10 : memref<!tpu.dma_semaphore, #tpu.memory_space<semaphore_mem>>) src(%dma_wait3A_95 : memref<16x2048xf32, #tpu.memory_space<hbm>>) dst(%arg7 : memref<16x2048xf32, #tpu.memory_space<vmem>>)
    %add3A_96 = arith.constant 48 : i32
    %add3A_97 = arith.addi %mul3A_2, %add3A_96 : i32
    %dma_start3A_98 = arith.constant 0 : i32
    %dma_start3A_99 = tpu.memref_slice %arg5[%add3A_97, %dma_start3A_98] : memref<4096x2048xf32, #tpu.memory_space<hbm>> -> memref<16x2048xf32, #tpu.memory_space<hbm>>
    %dma_start3A_100 = arith.constant 0 : i32
    %dma_start3A_101 = tpu.memref_slice %arg5[%add3A_97, %dma_start3A_100] : memref<4096x2048xf32, #tpu.memory_space<hbm>> -> memref<16x2048xf32, #tpu.memory_space<hbm>>
    tpu.enqueue_dma source(%arg7 : memref<16x2048xf32, #tpu.memory_space<vmem>>) target(%dma_start3A_101 : memref<16x2048xf32, #tpu.memory_space<hbm>>) target_semaphore(%arg11 : memref<!tpu.dma_semaphore, #tpu.memory_space<semaphore_mem>>)
    %dma_wait3A_102 = arith.constant 0 : i32
    %dma_wait3A_103 = tpu.memref_slice %arg5[%add3A_77, %dma_wait3A_102] : memref<4096x2048xf32, #tpu.memory_space<hbm>> -> memref<16x2048xf32, #tpu.memory_space<hbm>>
    %dma_wait3A_104 = arith.constant 0 : i32
    %dma_wait3A_105 = tpu.memref_slice %arg5[%add3A_77, %dma_wait3A_104] : memref<4096x2048xf32, #tpu.memory_space<hbm>> -> memref<16x2048xf32, #tpu.memory_space<hbm>>
    tpu.wait_dma2 semaphore(%arg11 : memref<!tpu.dma_semaphore, #tpu.memory_space<semaphore_mem>>) src(%arg9 : memref<16x2048xf32, #tpu.memory_space<vmem>>) dst(%dma_wait3A_105 : memref<16x2048xf32, #tpu.memory_space<hbm>>)
    %add3A_106 = arith.constant 80 : i32
    %add3A_107 = arith.addi %multiple_of3A, %add3A_106 : i32
    %dma_start3A_108 = arith.constant 0 : i32
    %dma_start3A_109 = tpu.memref_slice %arg4[%add3A_107, %dma_start3A_108] : memref<8192x2048xf32, #tpu.memory_space<hbm>> -> memref<16x2048xf32, #tpu.memory_space<hbm>>
    %dma_start3A_110 = arith.constant 0 : i32
    %dma_start3A_111 = tpu.memref_slice %arg4[%add3A_107, %dma_start3A_110] : memref<8192x2048xf32, #tpu.memory_space<hbm>> -> memref<16x2048xf32, #tpu.memory_space<hbm>>
    tpu.enqueue_dma source(%dma_start3A_111 : memref<16x2048xf32, #tpu.memory_space<hbm>>) target(%arg9 : memref<16x2048xf32, #tpu.memory_space<vmem>>) target_semaphore(%arg10 : memref<!tpu.dma_semaphore, #tpu.memory_space<semaphore_mem>>)
    %dma_wait3A_112 = arith.constant 0 : i32
    %dma_wait3A_113 = tpu.memref_slice %arg4[%add3A_87, %dma_wait3A_112] : memref<8192x2048xf32, #tpu.memory_space<hbm>> -> memref<16x2048xf32, #tpu.memory_space<hbm>>
    %dma_wait3A_114 = arith.constant 0 : i32
    %dma_wait3A_115 = tpu.memref_slice %arg4[%add3A_87, %dma_wait3A_114] : memref<8192x2048xf32, #tpu.memory_space<hbm>> -> memref<16x2048xf32, #tpu.memory_space<hbm>>
    tpu.wait_dma2 semaphore(%arg10 : memref<!tpu.dma_semaphore, #tpu.memory_space<semaphore_mem>>) src(%dma_wait3A_115 : memref<16x2048xf32, #tpu.memory_space<hbm>>) dst(%arg8 : memref<16x2048xf32, #tpu.memory_space<vmem>>)
    %add3A_116 = arith.constant 64 : i32
    %add3A_117 = arith.addi %mul3A_2, %add3A_116 : i32
    %dma_start3A_118 = arith.constant 0 : i32
    %dma_start3A_119 = tpu.memref_slice %arg5[%add3A_117, %dma_start3A_118] : memref<4096x2048xf32, #tpu.memory_space<hbm>> -> memref<16x2048xf32, #tpu.memory_space<hbm>>
    %dma_start3A_120 = arith.constant 0 : i32
    %dma_start3A_121 = tpu.memref_slice %arg5[%add3A_117, %dma_start3A_120] : memref<4096x2048xf32, #tpu.memory_space<hbm>> -> memref<16x2048xf32, #tpu.memory_space<hbm>>
    tpu.enqueue_dma source(%arg8 : memref<16x2048xf32, #tpu.memory_space<vmem>>) target(%dma_start3A_121 : memref<16x2048xf32, #tpu.memory_space<hbm>>) target_semaphore(%arg11 : memref<!tpu.dma_semaphore, #tpu.memory_space<semaphore_mem>>)
    %dma_wait3A_122 = arith.constant 0 : i32
    %dma_wait3A_123 = tpu.memref_slice %arg5[%add3A_97, %dma_wait3A_122] : memref<4096x2048xf32, #tpu.memory_space<hbm>> -> memref<16x2048xf32, #tpu.memory_space<hbm>>
    %dma_wait3A_124 = arith.constant 0 : i32
    %dma_wait3A_125 = tpu.memref_slice %arg5[%add3A_97, %dma_wait3A_124] : memref<4096x2048xf32, #tpu.memory_space<hbm>> -> memref<16x2048xf32, #tpu.memory_space<hbm>>
    tpu.wait_dma2 semaphore(%arg11 : memref<!tpu.dma_semaphore, #tpu.memory_space<semaphore_mem>>) src(%arg7 : memref<16x2048xf32, #tpu.memory_space<vmem>>) dst(%dma_wait3A_125 : memref<16x2048xf32, #tpu.memory_space<hbm>>)
    %add3A_126 = arith.constant 96 : i32
    %add3A_127 = arith.addi %multiple_of3A, %add3A_126 : i32
    %dma_start3A_128 = arith.constant 0 : i32
    %dma_start3A_129 = tpu.memref_slice %arg4[%add3A_127, %dma_start3A_128] : memref<8192x2048xf32, #tpu.memory_space<hbm>> -> memref<16x2048xf32, #tpu.memory_space<hbm>>
    %dma_start3A_130 = arith.constant 0 : i32
    %dma_start3A_131 = tpu.memref_slice %arg4[%add3A_127, %dma_start3A_130] : memref<8192x2048xf32, #tpu.memory_space<hbm>> -> memref<16x2048xf32, #tpu.memory_space<hbm>>
    tpu.enqueue_dma source(%dma_start3A_131 : memref<16x2048xf32, #tpu.memory_space<hbm>>) target(%arg7 : memref<16x2048xf32, #tpu.memory_space<vmem>>) target_semaphore(%arg10 : memref<!tpu.dma_semaphore, #tpu.memory_space<semaphore_mem>>)
    %dma_wait3A_132 = arith.constant 0 : i32
    %dma_wait3A_133 = tpu.memref_slice %arg4[%add3A_107, %dma_wait3A_132] : memref<8192x2048xf32, #tpu.memory_space<hbm>> -> memref<16x2048xf32, #tpu.memory_space<hbm>>
    %dma_wait3A_134 = arith.constant 0 : i32
    %dma_wait3A_135 = tpu.memref_slice %arg4[%add3A_107, %dma_wait3A_134] : memref<8192x2048xf32, #tpu.memory_space<hbm>> -> memref<16x2048xf32, #tpu.memory_space<hbm>>
    tpu.wait_dma2 semaphore(%arg10 : memref<!tpu.dma_semaphore, #tpu.memory_space<semaphore_mem>>) src(%dma_wait3A_135 : memref<16x2048xf32, #tpu.memory_space<hbm>>) dst(%arg9 : memref<16x2048xf32, #tpu.memory_space<vmem>>)
    %add3A_136 = arith.constant 80 : i32
    %add3A_137 = arith.addi %mul3A_2, %add3A_136 : i32
    %dma_start3A_138 = arith.constant 0 : i32
    %dma_start3A_139 = tpu.memref_slice %arg5[%add3A_137, %dma_start3A_138] : memref<4096x2048xf32, #tpu.memory_space<hbm>> -> memref<16x2048xf32, #tpu.memory_space<hbm>>
    %dma_start3A_140 = arith.constant 0 : i32
    %dma_start3A_141 = tpu.memref_slice %arg5[%add3A_137, %dma_start3A_140] : memref<4096x2048xf32, #tpu.memory_space<hbm>> -> memref<16x2048xf32, #tpu.memory_space<hbm>>
    tpu.enqueue_dma source(%arg9 : memref<16x2048xf32, #tpu.memory_space<vmem>>) target(%dma_start3A_141 : memref<16x2048xf32, #tpu.memory_space<hbm>>) target_semaphore(%arg11 : memref<!tpu.dma_semaphore, #tpu.memory_space<semaphore_mem>>)
    %dma_wait3A_142 = arith.constant 0 : i32
    %dma_wait3A_143 = tpu.memref_slice %arg5[%add3A_117, %dma_wait3A_142] : memref<4096x2048xf32, #tpu.memory_space<hbm>> -> memref<16x2048xf32, #tpu.memory_space<hbm>>
    %dma_wait3A_144 = arith.constant 0 : i32
    %dma_wait3A_145 = tpu.memref_slice %arg5[%add3A_117, %dma_wait3A_144] : memref<4096x2048xf32, #tpu.memory_space<hbm>> -> memref<16x2048xf32, #tpu.memory_space<hbm>>
    tpu.wait_dma2 semaphore(%arg11 : memref<!tpu.dma_semaphore, #tpu.memory_space<semaphore_mem>>) src(%arg8 : memref<16x2048xf32, #tpu.memory_space<vmem>>) dst(%dma_wait3A_145 : memref<16x2048xf32, #tpu.memory_space<hbm>>)
    %add3A_146 = arith.constant 112 : i32
    %add3A_147 = arith.addi %multiple_of3A, %add3A_146 : i32
    %dma_start3A_148 = arith.constant 0 : i32
    %dma_start3A_149 = tpu.memref_slice %arg4[%add3A_147, %dma_start3A_148] : memref<8192x2048xf32, #tpu.memory_space<hbm>> -> memref<16x2048xf32, #tpu.memory_space<hbm>>
    %dma_start3A_150 = arith.constant 0 : i32
    %dma_start3A_151 = tpu.memref_slice %arg4[%add3A_147, %dma_start3A_150] : memref<8192x2048xf32, #tpu.memory_space<hbm>> -> memref<16x2048xf32, #tpu.memory_space<hbm>>
    tpu.enqueue_dma source(%dma_start3A_151 : memref<16x2048xf32, #tpu.memory_space<hbm>>) target(%arg8 : memref<16x2048xf32, #tpu.memory_space<vmem>>) target_semaphore(%arg10 : memref<!tpu.dma_semaphore, #tpu.memory_space<semaphore_mem>>)
    %dma_wait3A_152 = arith.constant 0 : i32
    %dma_wait3A_153 = tpu.memref_slice %arg4[%add3A_127, %dma_wait3A_152] : memref<8192x2048xf32, #tpu.memory_space<hbm>> -> memref<16x2048xf32, #tpu.memory_space<hbm>>
    %dma_wait3A_154 = arith.constant 0 : i32
    %dma_wait3A_155 = tpu.memref_slice %arg4[%add3A_127, %dma_wait3A_154] : memref<8192x2048xf32, #tpu.memory_space<hbm>> -> memref<16x2048xf32, #tpu.memory_space<hbm>>
    tpu.wait_dma2 semaphore(%arg10 : memref<!tpu.dma_semaphore, #tpu.memory_space<semaphore_mem>>) src(%dma_wait3A_155 : memref<16x2048xf32, #tpu.memory_space<hbm>>) dst(%arg7 : memref<16x2048xf32, #tpu.memory_space<vmem>>)
    %add3A_156 = arith.constant 96 : i32
    %add3A_157 = arith.addi %mul3A_2, %add3A_156 : i32
    %dma_start3A_158 = arith.constant 0 : i32
    %dma_start3A_159 = tpu.memref_slice %arg5[%add3A_157, %dma_start3A_158] : memref<4096x2048xf32, #tpu.memory_space<hbm>> -> memref<16x2048xf32, #tpu.memory_space<hbm>>
    %dma_start3A_160 = arith.constant 0 : i32
    %dma_start3A_161 = tpu.memref_slice %arg5[%add3A_157, %dma_start3A_160] : memref<4096x2048xf32, #tpu.memory_space<hbm>> -> memref<16x2048xf32, #tpu.memory_space<hbm>>
    tpu.enqueue_dma source(%arg7 : memref<16x2048xf32, #tpu.memory_space<vmem>>) target(%dma_start3A_161 : memref<16x2048xf32, #tpu.memory_space<hbm>>) target_semaphore(%arg11 : memref<!tpu.dma_semaphore, #tpu.memory_space<semaphore_mem>>)
    %dma_wait3A_162 = arith.constant 0 : i32
    %dma_wait3A_163 = tpu.memref_slice %arg4[%add3A_147, %dma_wait3A_162] : memref<8192x2048xf32, #tpu.memory_space<hbm>> -> memref<16x2048xf32, #tpu.memory_space<hbm>>
    %dma_wait3A_164 = arith.constant 0 : i32
    %dma_wait3A_165 = tpu.memref_slice %arg4[%add3A_147, %dma_wait3A_164] : memref<8192x2048xf32, #tpu.memory_space<hbm>> -> memref<16x2048xf32, #tpu.memory_space<hbm>>
    tpu.wait_dma2 semaphore(%arg10 : memref<!tpu.dma_semaphore, #tpu.memory_space<semaphore_mem>>) src(%dma_wait3A_165 : memref<16x2048xf32, #tpu.memory_space<hbm>>) dst(%arg8 : memref<16x2048xf32, #tpu.memory_space<vmem>>)
    %add3A_166 = arith.constant 112 : i32
    %add3A_167 = arith.addi %mul3A_2, %add3A_166 : i32
    %dma_start3A_168 = arith.constant 0 : i32
    %dma_start3A_169 = tpu.memref_slice %arg5[%add3A_167, %dma_start3A_168] : memref<4096x2048xf32, #tpu.memory_space<hbm>> -> memref<16x2048xf32, #tpu.memory_space<hbm>>
    %dma_start3A_170 = arith.constant 0 : i32
    %dma_start3A_171 = tpu.memref_slice %arg5[%add3A_167, %dma_start3A_170] : memref<4096x2048xf32, #tpu.memory_space<hbm>> -> memref<16x2048xf32, #tpu.memory_space<hbm>>
    tpu.enqueue_dma source(%arg8 : memref<16x2048xf32, #tpu.memory_space<vmem>>) target(%dma_start3A_171 : memref<16x2048xf32, #tpu.memory_space<hbm>>) target_semaphore(%arg11 : memref<!tpu.dma_semaphore, #tpu.memory_space<semaphore_mem>>)
    %dma_wait3A_172 = arith.constant 0 : i32
    %dma_wait3A_173 = tpu.memref_slice %arg5[%add3A_137, %dma_wait3A_172] : memref<4096x2048xf32, #tpu.memory_space<hbm>> -> memref<16x2048xf32, #tpu.memory_space<hbm>>
    %dma_wait3A_174 = arith.constant 0 : i32
    %dma_wait3A_175 = tpu.memref_slice %arg5[%add3A_137, %dma_wait3A_174] : memref<4096x2048xf32, #tpu.memory_space<hbm>> -> memref<16x2048xf32, #tpu.memory_space<hbm>>
    tpu.wait_dma2 semaphore(%arg11 : memref<!tpu.dma_semaphore, #tpu.memory_space<semaphore_mem>>) src(%arg9 : memref<16x2048xf32, #tpu.memory_space<vmem>>) dst(%dma_wait3A_175 : memref<16x2048xf32, #tpu.memory_space<hbm>>)
    %dma_wait3A_176 = arith.constant 0 : i32
    %dma_wait3A_177 = tpu.memref_slice %arg5[%add3A_157, %dma_wait3A_176] : memref<4096x2048xf32, #tpu.memory_space<hbm>> -> memref<16x2048xf32, #tpu.memory_space<hbm>>
    %dma_wait3A_178 = arith.constant 0 : i32
    %dma_wait3A_179 = tpu.memref_slice %arg5[%add3A_157, %dma_wait3A_178] : memref<4096x2048xf32, #tpu.memory_space<hbm>> -> memref<16x2048xf32, #tpu.memory_space<hbm>>
    tpu.wait_dma2 semaphore(%arg11 : memref<!tpu.dma_semaphore, #tpu.memory_space<semaphore_mem>>) src(%arg7 : memref<16x2048xf32, #tpu.memory_space<vmem>>) dst(%dma_wait3A_179 : memref<16x2048xf32, #tpu.memory_space<hbm>>)
    %dma_wait3A_180 = arith.constant 0 : i32
    %dma_wait3A_181 = tpu.memref_slice %arg5[%add3A_167, %dma_wait3A_180] : memref<4096x2048xf32, #tpu.memory_space<hbm>> -> memref<16x2048xf32, #tpu.memory_space<hbm>>
    %dma_wait3A_182 = arith.constant 0 : i32
    %dma_wait3A_183 = tpu.memref_slice %arg5[%add3A_167, %dma_wait3A_182] : memref<4096x2048xf32, #tpu.memory_space<hbm>> -> memref<16x2048xf32, #tpu.memory_space<hbm>>
    tpu.wait_dma2 semaphore(%arg11 : memref<!tpu.dma_semaphore, #tpu.memory_space<semaphore_mem>>) src(%arg8 : memref<16x2048xf32, #tpu.memory_space<vmem>>) dst(%dma_wait3A_183 : memref<16x2048xf32, #tpu.memory_space<hbm>>)
    return
  }
}

</mosaic_0001>

<sc_bundles>
// kernel: _sc_copy.3.cloned.1.call-start
scs
__scs_entry_jumppad:
0x0: {  	(pc) =	sbr.rel $0x88, $3  }
0x1: {  	(tag) =	ssettag $0x0;
	lr =	simm.s32 $0x1  }
0x2: {  	[smem:$0x3F9E] =	sst lr;
	_ =	strace $0xD0000000  }
0x3: {  	_ = 	snop  }
0x4: {  	_ = 	snop  }
0x5: {  	_ = 	snop  }
0x6: {  	_ = 	snop  }
0x7: {  	_ = 	snop  }
__scs_overlays_trampoline_lowered:
0x8: {  	[smem:$0x3FAD] =	sst s0  }
0x9: {  	[smem:$0x3FAE] =	sst s1  }
0xa: {  	[smem:$0x3FAF] =	sst s2  }
0xb: {  	[smem:$0x3FB0] =	sst s3  }
0xc: {  	[smem:$0x3FB1] =	sst s4  }
0xd: {  	[smem:$0x3FB2] =	sst s5  }
0xe: {  	[smem:$0x3FB3] =	sst s6  }
0xf: {  	[smem:$0x3FB4] =	sst s7  }
0x10: {  	[smem:$0x3FB5] =	sst s8  }
0x11: {  	[smem:$0x3FB6] =	sst s9;
	s0 =	simm.s32 @!p0 $0x0  }
0x12: {  	s1 =	sld [smem:$0x3F9C];
	s0 =	simm.s32 @p0 $0x1  }
0x13: {  	[smem:$0x3FB7] =	sst s0;
	s0 =	simm.s32 @!p1 $0x0  }
0x14: {  	s2 =	sld [smem:$0x3F9B];
	s0 =	simm.s32 @p1 $0x1  }
0x15: {  	[smem:$0x3FB8] =	sst s0;
	s0 =	simm.s32 @!p2 $0x0  }
0x16: {  	s3 =	sld [smem:$0x3FDB];
	s0 =	simm.s32 @p2 $0x1  }
0x17: {  	s4 =	simm.s32 $0x1BF5;
	[smem:$0x3FBA] =	sst s0  }
0x18: {  	s0 =	sld [smem:$0x3F9D];
	_ =	swait.ge [sflag:s4], $0x0  }
0x19: {  	s7 =	sld [smem:$0x3F9E]  }
0x1a: {  	s8 =	sadd.s32 $0xFFFFE003, lr  }
0x1b: {  	s9 =	sadd.s32 $0xFFFFFEF7, lr;
	s5 =	simm.s32 $0xFFFFFFFF;
	p2 =	slt.u32 s8, $0xFFFFF086  }
0x1c: {  	p1 =	slt.u32 s9, $0xF7A;
	s5 =	simm.s32 @!p2 $0x0  }
0x1d: {  	s5 =	simm.s32 @p1 $0x1;
	p0 =	seq.s32 s7, s2  }
0x1e: {  	s7 =	smul.u32 @!p0 $0xF7A, s2;
	p2 =	seq.s32 @!p0 s5, $0x0  }
0x1f: {  	s9 =	smul.u32 $0xF7A, s1;
	s8 =	simm.s32 @!p0 $0x1BF5;
	p2 =	por !p2, p0  }
0x20: {  	[sflag:s8] =	ssyncset.s32 @!p0 $0xFFFFF086;
	s6 =	sadd.s32 @!p0 s3, s7;
	s7 =	simm.s32 @!p0 $0x108  }
0x21: {  	s3 =	sadd.s32 s3, s9;
	s6 =	sadd.s32 @!p0 $0x88, s6;
	s7 =	simm.s32 @p2 $0x1082  }
0x22: {  	[simem:s7], [sflag:s8] =	dma.local @!p0 [hbm:s6], $0xF7A  }
0x23: {  	s9 =	sor.u32 $0xD0000000, s2;
	s6 =	simm.s32 $0x108;
	_ =	swait.ge @!p0 [sflag:s8], $0x0  }
0x24: {  	s3 =	sadd.s32 $0x88, s3;
	s6 =	simm.s32 @!p1 $0x1082;
	[sflag:s4] =	ssyncset.s32 $0xFFFFF086  }
0x25: {  	[simem:s6], [sflag:s4] =	dma.local [hbm:s3], $0xF7A  }
0x26: {  	[smem:$0x3F9E] =	sst s1;
	(tag) =	ssettag s2;
	_ =	strace s9  }
0x27: {  	s1 =	sld [smem:$0x3FAE]  }
0x28: {  	s2 =	sld [smem:$0x3FAF]  }
0x29: {  	s4 =	sld [smem:$0x3FB1]  }
0x2a: {  	p0 =	seq.s32 s5, $0x0;
	s5 =	sld [smem:$0x3FB2]  }
0x2b: {  	s6 =	sld [smem:$0x3FB3]  }
0x2c: {  	s7 =	sld [smem:$0x3FB4]  }
0x2d: {  	s3 =	simm.s32 $0x108;
	s8 =	sld [smem:$0x3FB5]  }
0x2e: {  	s3 =	simm.s32 @!p0 $0x1082;
	s9 =	sld [smem:$0x3FB6]  }
0x2f: {  	lr =	sadd.s32 s0, s3;
	s0 =	sld [smem:$0x3FAD]  }
0x30: {  	s3 =	sld [smem:$0x3FB0]  }
0x31: {  	[smem:$0x3FB9] =	sst s10  }
0x32: {  	s10 =	sld [smem:$0x3FB7];
	_ =	sdelay $0x3  }
0x33: {  	p0 =	seq.s32 s10, $0x1;
	s10 =	sld [smem:$0x3FB9];
	_ =	sdelay $0x3  }
0x34: {  	[smem:$0x3FB9] =	sst s10  }
0x35: {  	s10 =	sld [smem:$0x3FB8];
	_ =	sdelay $0x3  }
0x36: {  	p1 =	seq.s32 s10, $0x1;
	s10 =	sld [smem:$0x3FB9];
	_ =	sdelay $0x3  }
0x37: {  	[smem:$0x3FB9] =	sst s10  }
0x38: {  	s10 =	sld [smem:$0x3FBA]  }
0x39: {  	_ = 	snop;
	(pc) =	sbr.ind lr, $3  }
0x3a: {  	_ = 	snop  }
0x3b: {  	_ = 	snop  }
0x3c: {  	p2 =	seq.s32 s10, $0x1;
	s10 =	sld [smem:$0x3FB9]  }
0x3d: {  	_ =	shalt  }
0x3e: {  	_ =	shalt  }
0x3f: {  	_ =	shalt  }
0x40: {  	_ =	shalt  }
0x41: {  	_ =	shalt  }
0x42: {  	_ =	shalt  }
0x43: {  	_ =	shalt  }
0x44: {  	_ =	shalt  }
0x45: {  	_ =	shalt  }
0x46: {  	_ =	shalt  }
0x47: {  	_ =	shalt  }
0x48: {  	_ =	shalt  }
0x49: {  	_ =	shalt  }
0x4a: {  	_ =	shalt  }
0x4b: {  	_ =	shalt  }
0x4c: {  	_ =	shalt  }
0x4d: {  	_ =	shalt  }
0x4e: {  	_ =	shalt  }
0x4f: {  	_ =	shalt  }
0x50: {  	_ =	shalt  }
0x51: {  	_ =	shalt  }
0x52: {  	_ =	shalt  }
0x53: {  	_ =	shalt  }
0x54: {  	_ =	shalt  }
0x55: {  	_ =	shalt  }
0x56: {  	_ =	shalt  }
0x57: {  	_ =	shalt  }
0x58: {  	_ =	shalt  }
0x59: {  	_ =	shalt  }
0x5a: {  	_ =	shalt  }
0x5b: {  	_ =	shalt  }
0x5c: {  	_ =	shalt  }
0x5d: {  	_ =	shalt  }
0x5e: {  	_ =	shalt  }
0x5f: {  	_ =	shalt  }
0x60: {  	_ =	shalt  }
0x61: {  	_ =	shalt  }
0x62: {  	_ =	shalt  }
0x63: {  	_ =	shalt  }
0x64: {  	_ =	shalt  }
0x65: {  	_ =	shalt  }
0x66: {  	_ =	shalt  }
0x67: {  	_ =	shalt  }
0x68: {  	_ =	shalt  }
0x69: {  	_ =	shalt  }
0x6a: {  	_ =	shalt  }
0x6b: {  	_ =	shalt  }
0x6c: {  	_ =	shalt  }
0x6d: {  	_ =	shalt  }
0x6e: {  	_ =	shalt  }
0x6f: {  	_ =	shalt  }
0x70: {  	_ =	shalt  }
0x71: {  	_ =	shalt  }
0x72: {  	_ =	shalt  }
0x73: {  	_ =	shalt  }
0x74: {  	_ =	shalt  }
0x75: {  	_ =	shalt  }
0x76: {  	_ =	shalt  }
0x77: {  	_ =	shalt  }
0x78: {  	_ =	shalt  }
0x79: {  	_ =	shalt  }
0x7a: {  	_ =	shalt  }
0x7b: {  	_ =	shalt  }
0x7c: {  	_ =	shalt  }
0x7d: {  	_ =	shalt  }
0x7e: {  	_ =	shalt  }
0x7f: {  	_ =	shalt  }
0x80: {  	_ =	shalt  }
0x81: {  	_ =	shalt  }
0x82: {  	_ =	shalt  }
0x83: {  	_ =	shalt  }
0x84: {  	_ =	shalt  }
0x85: {  	_ =	shalt  }
0x86: {  	_ =	shalt  }
0x87: {  	_ =	shalt  }
.Lfunc_end0:
.L_simem_size_0:
called_computation_lowered:
.L_overlay_start_0:
0x88: {  	s2 =	sld [smem:$0x3FD9]  }
0x89: {  	s3 =	sld [smem:$0x3FFE];
	_ =	sdelay $0x1  }
0x8a: {  	s1 =	srdreg.scid  }
0x8b: {  	s0 =	sand.u32 $0x1, s1  }
0x8c: {  	s18 =	sshll.u32 s0, $0xA;
	s2 =	sadd.s32 s3, s2  }
0x8d: {  	s2 =	sadd.s32 s2, s18  }
0x8e: {  	[smem:$0x3FC5] =	sst s2  }
0x8f: {  	_ = 	snop  }
0x90: {  	s2 =	sld [smem:$0x3FC9]  }
0x91: {  	s19 =	sld [smem:$0x3FC8]  }
0x92: {  	s4 =	sld [smem:$0x3FC7]  }
0x93: {  	s5 =	sld [smem:$0x3FD0];
	(tm) =	ssettm $0x1  }
0x94: {  	s6 =	sld [smem:$0x3FFB];
	_ =	sdelay $0x3  }
0x95: {  	_ =	strace s6  }
0x96: {  	s6 =	sld [smem:$0x3FFC];
	_ =	sdelay $0x3  }
0x97: {  	_ =	strace s6  }
0x98: {  	s6 =	sld [smem:$0x3FFD];
	_ =	sdelay $0x3  }
0x99: {  	_ =	strace s6  }
0x9a: {  	_ =	strace $0x8FFFFFFF  }
0x9b: {  	s20 =	sld [smem:$0x3FDB];
	_ =	sdelay $0x1  }
0x9c: {  	s7 =	simm.s32 $_scs_section_size  }
0x9d: {  	s8 =	simm.s32 $_size__tile_overlayer_lowered;
	s9 =	simm.s32 $_tile_overlayer_lowered  }
0x9e: {  	s23 =	simm.s32 $0x1BFF;
	s22 =	sshll.u32 s9, $0x1;
	s6 =	sadd.s32 s7, s20  }
0x9f: {  	s10 =	simm.s32 $0x0;
	s21 =	sshll.u32 s8, $0x1;
	s8 =	sadd.s32 s22, s6  }
0xa0: {  	[timem:s10], [sflag:s23] =	dma.local [hbm:s8], s21  }
0xa1: {  	_ =	swait.ge [sflag:s23], s21  }
0xa2: {  	s7 =	ssub.s32 $0x0, s21;
	[sflag:s23] =	ssyncset.done $0x0  }
0xa3: {  	[sflag:s23] =	ssyncadd.s32 s7;
	_ =	sdelay $0x1  }
0xa4: {  	s24 =	simm.s32 $0x1B8B  }
0xa5: {  	_ =	swait.ge [sflag:s24], $0x1  }
0xa6: {  	[sflag:s24] =	ssyncset.done $0x0  }
0xa7: {  	s25 =	simm.s32 $0x1B8E;
	[sflag:s24] =	ssyncadd.s32 $0xFFFFFFFF  }
0xa8: {  	s26 =	simm.s32 $execute0_lowered;
	[smem:$0x3FD2] =	sst s25  }
0xa9: {  	s7 =	sshll.u32 s26, $0x1;
	_ =	strace $0x80000046;
	[dreg:$0x1] =	wrdreg $0xFFFFFFFF  }
0xaa: {  	s28 =	simm.s32 $_size_execute0_lowered;
	s6 =	sadd.s32 s6, s7;
	[dreg:$0x0] =	wrdreg $0x0  }
0xab: {  	s7 =	sshll.u32 s28, $0x1;
	[dreg:$0x2] =	wrdreg s6  }
0xac: {  	[dreg:$0x3] =	wrdreg s7  }
0xad: {  	[dreg:$0x4] =	wrdreg $0xC0  }
0xae: {  	_ =	task [dreg:s10], $0x5FFFF  }
0xaf: {  	[dreg:$0x1] =	wrdreg $0xFFFFFFFF  }
0xb0: {  	[dreg:$0x0] =	wrdreg $0x60  }
0xb1: {  	[dreg:$0x2] =	wrdreg s2  }
0xb2: {  	[dreg:$0x3] =	wrdreg s19  }
0xb3: {  	[dreg:$0x4] =	wrdreg s4  }
0xb4: {  	[dreg:$0x5] =	wrdreg s5  }
0xb5: {  	[dreg:$0x6] =	wrdreg $0x9  }
0xb6: {  	_ =	task.clear_ibuf [dreg:s10], $0x7FFFF;
	_ =	strace $0x90000046  }
0xb7: {  	s29 =	simm.s32 $0x9;
	_ =	strace $0x80000048  }
0xb8: {  	_ =	swait.ge [sflag:s29], $0x1  }
0xb9: {  	[sflag:s29] =	ssyncadd.s32 $0xFFFFFFFF  }
0xba: {  	_ =	strace $0x90000048  }
0xbb: {  	_ =	sfence  }
0xbc: {  	s30 =	sld [smem:$0x0];
	_ =	sdelay $0x2  }
0xbd: {  	s31 =	sshll.u32 s1, $0xD;
	s1 =	sshrl.u32 s1, $0x2  }
0xbe: {  	s3 =	sand.u32 $0x4000, s31;
	s1 =	sadd.s32 s1, s30  }
0xbf: {  	s0 =	sor.u32 s3, s0;
	s1 =	sshll.u32 s1, $0x11  }
0xc0: {  	s0 =	sor.u32 s1, s0  }
0xc1: {  	s0 =	sadd.s32 $0x8F2B, s0  }
0xc2: {  	[sflag:s0] =	ssyncadd.remote.s32 $0x1  }
0xc3: {  	_ =	sfence.sel $0xFFFF  }
0xc4: {  	[dreg:$0x0] =	wrdreg $0xFFFFFFFF;
	(pc) =	sbr.abs _section_cstart, $3  }
0xc5: {  	[dreg:$0x1] =	wrdreg $0xFFFFFFFF  }
0xc6: {  	_ =	task.clear_ibuf [dreg:s10], $0x2FFFF;
	_ =	strace $0x9FFFFFFF  }
0xc7: {  	(tm) =	ssettm $0x7FFFFFFF  }
tec
execute0_lowered:
.L_overlay_start_1:
0x0: {  	(tag) =	ssettag $0x1  }
0x1: {  	s0 =	rddreg [dreg:$0x0]  }
0x2: {  	s28 =	rddreg [dreg:$0x1]  }
0x3: {  	s2 =	rddreg [dreg:$0x2]  }
0x4: {  	s4 =	rddreg [dreg:$0x3]  }
0x5: {  	s1 =	srdreg.scid;
	[dreg:$0x5] =	wrdreg s0  }
0x6: {  	s3 =	simm.s32 $0x0;
	s9 =	simm.s32 $0x8;
	[dreg:$0x6] =	wrdreg s28  }
0x7: {  	s0 =	stileid.u32;
	s10 =	sand.u32 $0x1, s1;
	s1 =	rddreg [dreg:$0x4]  }
0x8: {  	[smem:$0x7FF] =	sst s3;
	s5 =	sshll.u32 s0, $0x8;
	s6 =	sshll.u32 s10, $0x7  }
0x9: {  	_ =	strace $0x80000047;
	[dreg:$0xf] =	wrdreg s9;
	s5 =	sor.u32 s6, s5  }
0xa: {  	s11 =	rddreg [dreg:$0x5];
	s6 =	sshll.u32 s5, $0x8  }
0xb: {  	[tilespmem:s3], [sflag:$0x1] =	stream.linear.gather [hbm4b:s11+s3], $0x1, $0x38;
	[tilespmem:$0x18080] =	vst v63  }
0xc: {  	s12 =	rddreg [dreg:$0xf];
	s5 =	sor.u32 $0xFFFFF000, s5;
	s4 =	sadd.s32 s4, s6  }
0xd: {  	[dreg:$0x7] =	wrdreg s5;
	s29 =	sadd.s32 $0x1000, s4  }
0xe: {  	s30 =	sadd.s32 $0x2000, s4;
	[dreg:$0x8] =	wrdreg s29  }
0xf: {  	s31 =	sadd.s32 $0x3000, s4;
	[dreg:$0x9] =	wrdreg s30  }
0x10: {  	s6 =	sadd.s32 $0x4000, s4;
	[dreg:$0xa] =	wrdreg s31  }
0x11: {  	s7 =	sadd.s32 $0x5000, s4;
	[dreg:$0xb] =	wrdreg s6  }
0x12: {  	s8 =	sadd.s32 $0x6000, s4;
	[dreg:$0xc] =	wrdreg s7  }
0x13: {  	[dreg:$0xd] =	wrdreg s8  }
0x14: {  	s7 =	sadd.s32 $0x7000, s4;
	s8 =	rddreg [dreg:$0x6]  }
0x15: {  	s5 =	simm.s32 $0x1;
	[dreg:$0xe] =	wrdreg s7  }
0x16: {  	[tilespmem:s12], [sflag:$0x1] =	stream.linear.gather [hbm4b:s8+s3], $0x1, $0x38;
	[tilespmem:$0x18080] =	vst v63  }
0x17: {  	_ =	swait.ge [sflag:s5], $0x1  }
0x18: {  	[sflag:s5] =	ssyncset.done $0x0  }
0x19: {  	[sflag:s5] =	ssyncadd.s32 $0xFFFFFFFF  }
0x1a: {  	_ =	swait.ge [sflag:s5], $0x1  }
0x1b: {  	[sflag:s5] =	ssyncset.done $0x0  }
0x1c: {  	[sflag:s5] =	ssyncadd.s32 $0xFFFFFFFF  }
0x1d: {  	v0 =	vld [tilespmem:$0x0];
	_ =	sdelay $0x4  }
0x1e: {  	(v2sf) =	vpush v0, $0x0  }
0x1f: {  	(v2sf) =	vpush v0, $0x8;
	_ =	sdelay $0xd  }
0x20: {  	s14 =	spop (v2sf)  }
0x21: {  	s15 =	spop (v2sf)  }
0x22: {  	s13 =	rddreg [dreg:$0x7];
	s7 =	sadd.s32 s15, s14  }
0x23: {  	s6 =	sadd.s32 s7, s13  }
0x24: {  	s7 =	sshll.u32 s7, $0x7;
	s16 =	sshll.u32 s6, $0x8;
	s6 =	sshll.u32 s6, $0xB  }
0x25: {  	s7 =	sand.u32 $0x380, s7;
	s8 =	sand.u32 $0xFFFF800, s16;
	s9 =	sand.u32 $0xFFFFC000, s6  }
0x26: {  	s6 =	simm.s32 $0x80;
	s8 =	sadd.s32 s2, s8;
	s11 =	sor.u32 s7, s9  }
0x27: {  	[tilespmem:s6], [sflag:$0x1] =	stream.linear.gather [hbm4b:s8+s3], $0x8000, $0x38;
	[tilespmem:$0x18080] =	vst v63  }
0x28: {  	s7 =	sadd.s32 $0x8000, s11  }
0x29: {  	s17 =	sshrl.u32 s7, $0x3  }
0x2a: {  	s7 =	simm.s32 $0x8080;
	s8 =	sadd.s32 s2, s17  }
0x2b: {  	[tilespmem:s7], [sflag:$0x1] =	stream.linear.gather [hbm4b:s8+s3], $0x8000, $0x38;
	[tilespmem:$0x18080] =	vst v63  }
0x2c: {  	_ =	swait.ge [sflag:s5], $0x8000  }
0x2d: {  	s18 =	sadd.s32 $0x10000, s11;
	[sflag:s5] =	ssyncset.done $0x0  }
0x2e: {  	s19 =	sshrl.u32 s18, $0x3;
	[sflag:s5] =	ssyncadd.s32 $0xFFFF8000  }
0x2f: {  	[hbm4b:s4+s3] =	stream.linear.scatter [tilespmem:s6], [sflag:$0x2], $0x8000, $0x38;
	[tilespmem:$0x18080] =	vst v63  }
0x30: {  	s9 =	sadd.s32 s2, s19;
	s8 =	simm.s32 $0x10080  }
0x31: {  	[tilespmem:s8], [sflag:$0x1] =	stream.linear.gather [hbm4b:s9+s3], $0x8000, $0x38;
	[tilespmem:$0x18080] =	vst v63  }
0x32: {  	_ =	swait.ge [sflag:s5], $0x8000  }
0x33: {  	[sflag:s5] =	ssyncset.done $0x0  }
0x34: {  	s9 =	simm.s32 $0x2;
	s12 =	rddreg [dreg:$0x8];
	[sflag:s5] =	ssyncadd.s32 $0xFFFF8000  }
0x35: {  	[hbm4b:s12+s3] =	stream.linear.scatter [tilespmem:s7], [sflag:$0x2], $0x8000, $0x38;
	[tilespmem:$0x18080] =	vst v63  }
0x36: {  	s20 =	sadd.s32 $0x18000, s11;
	_ =	swait.ge [sflag:s9], $0x8000  }
0x37: {  	s12 =	sshrl.u32 s20, $0x3;
	[sflag:s9] =	ssyncset.done $0x0  }
0x38: {  	s12 =	sadd.s32 s2, s12;
	[sflag:s9] =	ssyncadd.s32 $0xFFFF8000  }
0x39: {  	[tilespmem:s6], [sflag:$0x1] =	stream.linear.gather [hbm4b:s12+s3], $0x8000, $0x38;
	[tilespmem:$0x18080] =	vst v63  }
0x3a: {  	_ =	swait.ge [sflag:s5], $0x8000  }
0x3b: {  	[sflag:s5] =	ssyncset.done $0x0  }
0x3c: {  	s21 =	rddreg [dreg:$0x9];
	[sflag:s5] =	ssyncadd.s32 $0xFFFF8000  }
0x3d: {  	[hbm4b:s21+s3] =	stream.linear.scatter [tilespmem:s8], [sflag:$0x2], $0x8000, $0x38;
	[tilespmem:$0x18080] =	vst v63  }
0x3e: {  	s22 =	sadd.s32 $0x20000, s11;
	_ =	swait.ge [sflag:s9], $0x8000  }
0x3f: {  	s12 =	sshrl.u32 s22, $0x3;
	[sflag:s9] =	ssyncset.done $0x0  }
0x40: {  	s12 =	sadd.s32 s2, s12;
	[sflag:s9] =	ssyncadd.s32 $0xFFFF8000  }
0x41: {  	[tilespmem:s7], [sflag:$0x1] =	stream.linear.gather [hbm4b:s12+s3], $0x8000, $0x38;
	[tilespmem:$0x18080] =	vst v63  }
0x42: {  	_ =	swait.ge [sflag:s5], $0x8000  }
0x43: {  	[sflag:s5] =	ssyncset.done $0x0  }
0x44: {  	s23 =	rddreg [dreg:$0xa];
	[sflag:s5] =	ssyncadd.s32 $0xFFFF8000  }
0x45: {  	[hbm4b:s23+s3] =	stream.linear.scatter [tilespmem:s6], [sflag:$0x2], $0x8000, $0x38;
	[tilespmem:$0x18080] =	vst v63  }
0x46: {  	s24 =	sadd.s32 $0x28000, s11;
	_ =	swait.ge [sflag:s9], $0x8000  }
0x47: {  	s12 =	sshrl.u32 s24, $0x3;
	[sflag:s9] =	ssyncset.done $0x0  }
0x48: {  	s12 =	sadd.s32 s2, s12;
	[sflag:s9] =	ssyncadd.s32 $0xFFFF8000  }
0x49: {  	[tilespmem:s8], [sflag:$0x1] =	stream.linear.gather [hbm4b:s12+s3], $0x8000, $0x38;
	[tilespmem:$0x18080] =	vst v63  }
0x4a: {  	_ =	swait.ge [sflag:s5], $0x8000  }
0x4b: {  	[sflag:s5] =	ssyncset.done $0x0  }
0x4c: {  	s25 =	rddreg [dreg:$0xb];
	[sflag:s5] =	ssyncadd.s32 $0xFFFF8000  }
0x4d: {  	[hbm4b:s25+s3] =	stream.linear.scatter [tilespmem:s7], [sflag:$0x2], $0x8000, $0x38;
	[tilespmem:$0x18080] =	vst v63  }
0x4e: {  	s26 =	sadd.s32 $0x30000, s11;
	_ =	swait.ge [sflag:s9], $0x8000  }
0x4f: {  	s12 =	sshrl.u32 s26, $0x3;
	[sflag:s9] =	ssyncset.done $0x0  }
0x50: {  	s12 =	sadd.s32 s2, s12;
	[sflag:s9] =	ssyncadd.s32 $0xFFFF8000  }
0x51: {  	[tilespmem:s6], [sflag:$0x1] =	stream.linear.gather [hbm4b:s12+s3], $0x8000, $0x38;
	[tilespmem:$0x18080] =	vst v63  }
0x52: {  	_ =	swait.ge [sflag:s5], $0x8000  }
0x53: {  	[sflag:s5] =	ssyncset.done $0x0  }
0x54: {  	s28 =	rddreg [dreg:$0xc];
	[sflag:s5] =	ssyncadd.s32 $0xFFFF8000  }
0x55: {  	[hbm4b:s28+s3] =	stream.linear.scatter [tilespmem:s8], [sflag:$0x2], $0x8000, $0x38;
	[tilespmem:$0x18080] =	vst v63  }
0x56: {  	s11 =	sadd.s32 $0x38000, s11;
	_ =	swait.ge [sflag:s9], $0x8000  }
0x57: {  	s11 =	sshrl.u32 s11, $0x3;
	[sflag:s9] =	ssyncset.done $0x0  }
0x58: {  	s11 =	sadd.s32 s2, s11;
	[sflag:s9] =	ssyncadd.s32 $0xFFFF8000  }
0x59: {  	[tilespmem:s7], [sflag:$0x1] =	stream.linear.gather [hbm4b:s11+s3], $0x8000, $0x38;
	[tilespmem:$0x18080] =	vst v63  }
0x5a: {  	_ =	swait.ge [sflag:s5], $0x8000  }
0x5b: {  	[sflag:s5] =	ssyncset.done $0x0  }
0x5c: {  	s10 =	ssub.s32 $0x2, s10;
	s29 =	rddreg [dreg:$0xd];
	[sflag:s5] =	ssyncadd.s32 $0xFFFF8000  }
0x5d: {  	[hbm4b:s29+s3] =	stream.linear.scatter [tilespmem:s6], [sflag:$0x2], $0x8000, $0x38;
	[tilespmem:$0x18080] =	vst v63  }
0x5e: {  	s31 =	sshrl.u32 s10, $0x1;
	_ =	swait.ge [sflag:s5], $0x8000  }
0x5f: {  	s10 =	ssub.s32 s10, s31;
	[sflag:s5] =	ssyncset.done $0x0  }
0x60: {  	s10 =	smax.u32 s10, $0x1;
	s30 =	rddreg [dreg:$0xe];
	[sflag:s5] =	ssyncadd.s32 $0xFFFF8000  }
0x61: {  	[hbm4b:s30+s3] =	stream.linear.scatter [tilespmem:s7], [sflag:$0x2], $0x8000, $0x38;
	[tilespmem:$0x18080] =	vst v63  }
0x62: {  	p0 =	sne.s32 s10, $0x1;
	_ =	swait.ge [sflag:s9], $0x8000  }
.Ltmp0:
0x63: {  	[sflag:s9] =	ssyncset.done $0x0;
	(pc) =	sbr.rel @!p0 .LBB2_2-.Ltmp0, $4  }
0x64: {  	[sflag:s9] =	ssyncadd.s32 $0xFFFF8000  }
0x65: {  	_ =	swait.ge [sflag:s9], $0x8000  }
0x66: {  	[sflag:s9] =	ssyncset.done $0x0  }
0x67: {  	s10 =	sadd.s32 $0xFFFFFFFF, s10;
	[sflag:s9] =	ssyncadd.s32 $0xFFFF8000  }
.LBB2_1:
0x68: {  	_ =	swait.ge [sflag:s9], $0x8000  }
0x69: {  	s11 =	rddreg [dreg:$0x5];
	[sflag:s9] =	ssyncset.done $0x0  }
0x6a: {  	s12 =	rddreg [dreg:$0xf];
	[sflag:s9] =	ssyncadd.s32 $0xFFFF8000  }
0x6b: {  	[tilespmem:s3], [sflag:$0x1] =	stream.linear.gather [hbm4b:s11+s3], $0x1, $0x38;
	[tilespmem:$0x18080] =	vst v63  }
0x6c: {  	s13 =	rddreg [dreg:$0x6]  }
0x6d: {  	[tilespmem:s12], [sflag:$0x1] =	stream.linear.gather [hbm4b:s13+s3], $0x1, $0x38;
	[tilespmem:$0x18080] =	vst v63  }
0x6e: {  	_ =	swait.ge [sflag:s5], $0x1  }
0x6f: {  	[sflag:s5] =	ssyncset.done $0x0  }
0x70: {  	[sflag:s5] =	ssyncadd.s32 $0xFFFFFFFF  }
0x71: {  	_ =	swait.ge [sflag:s5], $0x1  }
0x72: {  	[sflag:s5] =	ssyncset.done $0x0  }
0x73: {  	[sflag:s5] =	ssyncadd.s32 $0xFFFFFFFF  }
0x74: {  	v0 =	vld [tilespmem:$0x0];
	_ =	sdelay $0x4  }
0x75: {  	(v2sf) =	vpush v0, $0x0  }
0x76: {  	(v2sf) =	vpush v0, $0x8;
	_ =	sdelay $0xd  }
0x77: {  	s16 =	spop (v2sf)  }
0x78: {  	s17 =	spop (v2sf)  }
0x79: {  	s15 =	rddreg [dreg:$0x7];
	s12 =	sadd.s32 s17, s16  }
0x7a: {  	s11 =	sadd.s32 s12, s15  }
0x7b: {  	s12 =	sshll.u32 s12, $0x7;
	s18 =	sshll.u32 s11, $0x8;
	s11 =	sshll.u32 s11, $0xB  }
0x7c: {  	s12 =	sand.u32 $0x380, s12;
	s13 =	sand.u32 $0xFFFF800, s18;
	s11 =	sand.u32 $0xFFFFC000, s11  }
0x7d: {  	s13 =	sadd.s32 s2, s13;
	s11 =	sor.u32 s12, s11  }
0x7e: {  	[tilespmem:s6], [sflag:$0x1] =	stream.linear.gather [hbm4b:s13+s3], $0x8000, $0x38;
	[tilespmem:$0x18080] =	vst v63  }
0x7f: {  	s12 =	sadd.s32 $0x8000, s11  }
0x80: {  	s12 =	sshrl.u32 s12, $0x3  }
0x81: {  	s12 =	sadd.s32 s2, s12  }
0x82: {  	[tilespmem:s7], [sflag:$0x1] =	stream.linear.gather [hbm4b:s12+s3], $0x8000, $0x38;
	[tilespmem:$0x18080] =	vst v63  }
0x83: {  	_ =	swait.ge [sflag:s5], $0x8000  }
0x84: {  	s19 =	sadd.s32 $0x10000, s11;
	[sflag:s5] =	ssyncset.done $0x0  }
0x85: {  	s15 =	sshrl.u32 s19, $0x3;
	[sflag:s5] =	ssyncadd.s32 $0xFFFF8000  }
0x86: {  	[hbm4b:s4+s3] =	stream.linear.scatter [tilespmem:s6], [sflag:$0x2], $0x8000, $0x38;
	[tilespmem:$0x18080] =	vst v63  }
0x87: {  	s15 =	sadd.s32 s2, s15  }
0x88: {  	[tilespmem:s8], [sflag:$0x1] =	stream.linear.gather [hbm4b:s15+s3], $0x8000, $0x38;
	[tilespmem:$0x18080] =	vst v63  }
0x89: {  	_ =	swait.ge [sflag:s5], $0x8000  }
0x8a: {  	[sflag:s5] =	ssyncset.done $0x0  }
0x8b: {  	s23 =	rddreg [dreg:$0x8];
	[sflag:s5] =	ssyncadd.s32 $0xFFFF8000  }
0x8c: {  	[hbm4b:s23+s3] =	stream.linear.scatter [tilespmem:s7], [sflag:$0x2], $0x8000, $0x38;
	[tilespmem:$0x18080] =	vst v63  }
0x8d: {  	s14 =	sadd.s32 $0x18000, s11;
	_ =	swait.ge [sflag:s9], $0x8000  }
0x8e: {  	s14 =	sshrl.u32 s14, $0x3;
	[sflag:s9] =	ssyncset.done $0x0  }
0x8f: {  	s14 =	sadd.s32 s2, s14;
	[sflag:s9] =	ssyncadd.s32 $0xFFFF8000  }
0x90: {  	[tilespmem:s6], [sflag:$0x1] =	stream.linear.gather [hbm4b:s14+s3], $0x8000, $0x38;
	[tilespmem:$0x18080] =	vst v63  }
0x91: {  	_ =	swait.ge [sflag:s5], $0x8000  }
0x92: {  	[sflag:s5] =	ssyncset.done $0x0  }
0x93: {  	s24 =	rddreg [dreg:$0x9];
	[sflag:s5] =	ssyncadd.s32 $0xFFFF8000  }
0x94: {  	[hbm4b:s24+s3] =	stream.linear.scatter [tilespmem:s8], [sflag:$0x2], $0x8000, $0x38;
	[tilespmem:$0x18080] =	vst v63  }
0x95: {  	s20 =	sadd.s32 $0x20000, s11;
	_ =	swait.ge [sflag:s9], $0x8000  }
0x96: {  	s17 =	sshrl.u32 s20, $0x3;
	[sflag:s9] =	ssyncset.done $0x0  }
0x97: {  	s25 =	sadd.s32 s2, s17;
	[sflag:s9] =	ssyncadd.s32 $0xFFFF8000  }
0x98: {  	[tilespmem:s7], [sflag:$0x1] =	stream.linear.gather [hbm4b:s25+s3], $0x8000, $0x38;
	[tilespmem:$0x18080] =	vst v63  }
0x99: {  	_ =	swait.ge [sflag:s5], $0x8000  }
0x9a: {  	[sflag:s5] =	ssyncset.done $0x0  }
0x9b: {  	s26 =	rddreg [dreg:$0xa];
	[sflag:s5] =	ssyncadd.s32 $0xFFFF8000  }
0x9c: {  	[hbm4b:s26+s3] =	stream.linear.scatter [tilespmem:s6], [sflag:$0x2], $0x8000, $0x38;
	[tilespmem:$0x18080] =	vst v63  }
0x9d: {  	s16 =	sadd.s32 $0x28000, s11;
	_ =	swait.ge [sflag:s9], $0x8000  }
0x9e: {  	s21 =	sshrl.u32 s16, $0x3;
	[sflag:s9] =	ssyncset.done $0x0  }
0x9f: {  	s13 =	sadd.s32 s2, s21;
	[sflag:s9] =	ssyncadd.s32 $0xFFFF8000  }
0xa0: {  	[tilespmem:s8], [sflag:$0x1] =	stream.linear.gather [hbm4b:s13+s3], $0x8000, $0x38;
	[tilespmem:$0x18080] =	vst v63  }
0xa1: {  	_ =	swait.ge [sflag:s5], $0x8000  }
0xa2: {  	[sflag:s5] =	ssyncset.done $0x0  }
0xa3: {  	s28 =	rddreg [dreg:$0xb];
	[sflag:s5] =	ssyncadd.s32 $0xFFFF8000  }
0xa4: {  	[hbm4b:s28+s3] =	stream.linear.scatter [tilespmem:s7], [sflag:$0x2], $0x8000, $0x38;
	[tilespmem:$0x18080] =	vst v63  }
0xa5: {  	s22 =	sadd.s32 $0x30000, s11;
	_ =	swait.ge [sflag:s9], $0x8000  }
0xa6: {  	s12 =	sshrl.u32 s22, $0x3;
	[sflag:s9] =	ssyncset.done $0x0  }
0xa7: {  	s12 =	sadd.s32 s2, s12;
	[sflag:s9] =	ssyncadd.s32 $0xFFFF8000  }
0xa8: {  	[tilespmem:s6], [sflag:$0x1] =	stream.linear.gather [hbm4b:s12+s3], $0x8000, $0x38;
	[tilespmem:$0x18080] =	vst v63  }
0xa9: {  	_ =	swait.ge [sflag:s5], $0x8000  }
0xaa: {  	[sflag:s5] =	ssyncset.done $0x0  }
0xab: {  	s29 =	rddreg [dreg:$0xc];
	[sflag:s5] =	ssyncadd.s32 $0xFFFF8000  }
0xac: {  	[hbm4b:s29+s3] =	stream.linear.scatter [tilespmem:s8], [sflag:$0x2], $0x8000, $0x38;
	[tilespmem:$0x18080] =	vst v63  }
0xad: {  	s11 =	sadd.s32 $0x38000, s11;
	_ =	swait.ge [sflag:s9], $0x8000  }
0xae: {  	s11 =	sshrl.u32 s11, $0x3;
	[sflag:s9] =	ssyncset.done $0x0  }
0xaf: {  	s11 =	sadd.s32 s2, s11;
	[sflag:s9] =	ssyncadd.s32 $0xFFFF8000  }
0xb0: {  	[tilespmem:s7], [sflag:$0x1] =	stream.linear.gather [hbm4b:s11+s3], $0x8000, $0x38;
	[tilespmem:$0x18080] =	vst v63  }
0xb1: {  	_ =	swait.ge [sflag:s5], $0x8000  }
0xb2: {  	[sflag:s5] =	ssyncset.done $0x0  }
0xb3: {  	s30 =	rddreg [dreg:$0xd];
	[sflag:s5] =	ssyncadd.s32 $0xFFFF8000  }
0xb4: {  	[hbm4b:s30+s3] =	stream.linear.scatter [tilespmem:s6], [sflag:$0x2], $0x8000, $0x38;
	[tilespmem:$0x18080] =	vst v63  }
0xb5: {  	_ =	swait.ge [sflag:s5], $0x8000  }
0xb6: {  	[sflag:s5] =	ssyncset.done $0x0  }
0xb7: {  	s31 =	rddreg [dreg:$0xe];
	[sflag:s5] =	ssyncadd.s32 $0xFFFF8000  }
0xb8: {  	[hbm4b:s31+s3] =	stream.linear.scatter [tilespmem:s7], [sflag:$0x2], $0x8000, $0x38;
	[tilespmem:$0x18080] =	vst v63  }
0xb9: {  	p0 =	sne.s32 s10, $0x1;
	_ =	swait.ge [sflag:s9], $0x8000  }
.Ltmp1:
0xba: {  	[sflag:s9] =	ssyncset.done $0x0;
	(pc) =	sbr.rel @p0 .LBB2_1-.Ltmp1, $4  }
0xbb: {  	[sflag:s9] =	ssyncadd.s32 $0xFFFF8000  }
0xbc: {  	_ =	swait.ge [sflag:s9], $0x8000  }
0xbd: {  	[sflag:s9] =	ssyncset.done $0x0  }
0xbe: {  	s10 =	sadd.s32 $0xFFFFFFFF, s10;
	[sflag:s9] =	ssyncadd.s32 $0xFFFF8000  }
.LBB2_2:
0xbf: {  	_ =	swait.ge [sflag:s9], $0x8000  }
0xc0: {  	[sflag:s9] =	ssyncset.done $0x0  }
0xc1: {  	[sflag:s9] =	ssyncadd.s32 $0xFFFF8000  }
0xc2: {  	_ =	sfence.sel $0x180000  }
0xc3: {  	[bflag:$0x0] =	sbarrier.arrive $0xFFFF  }
0xc4: {  	p0 =	sne.s32 s0, $0x0;
	_ =	strace $0x90000047  }
0xc5: {  	s0 =	sadd.s32 @!p0 $0x100000, s1;
	[bflag:$0x2] =	sbarrier.arrive $0xFFFF  }
0xc6: {  	[sflag:s0] =	ssyncadd.tile.s32 @!p0 $0x1;
	_ =	shalt  }
.Lfunc_end2:
_tile_overlayer_lowered:
.L_overlay_start_2:
0xc7: {  	(tag) =	ssettag $0x2  }
0xc8: {  	s0 =	rddreg [dreg:$0x0];
	s2 =	stileid.u32  }
0xc9: {  	s1 =	rddreg [dreg:$0x1];
	p0 =	sne.s32 s2, $0x0  }
0xca: {  	s3 =	rddreg [dreg:$0x2];
	[bflag:$0x3] =	sbarrier.arrive $0xFFFF;
	s2 =	simm.s32 @!p0 $0x1C03  }
0xcb: {  	[timem:s3], [sflag:s2] =	dma.local @!p0 [hbm:s0], s1  }
0xcc: {  	s0 =	simm.s32 @!p0 $0x3  }
0xcd: {  	_ =	swait.ge @!p0 [sflag:s0], s1  }
0xce: {  	s1 =	ssub.s32 @!p0 $0x0, s1;
	[sflag:s0] =	ssyncset.done @!p0 $0x0  }
0xcf: {  	[sflag:s0] =	ssyncadd.s32 @!p0 s1  }
0xd0: {  	[bflag:$0x3] =	sbarrier.arrive $0xFFFF  }
0xd1: {  	_ =	shalt  }

</sc_bundles>
